<compile_context>
chip_gen: v7x
topology: tpu7x:2x2x1
jax: 0.10.2.dev20260603
libtpu: 0.0.44.dev20260713+nightly
codegen_flags: <defaults>
</compile_context>

<pallas_src>
import functools

import jax
import jax.numpy as jnp
from jax import lax
from jax.experimental import pallas as pl
from jax.experimental.pallas import tpu as pltpu
from jax.experimental.pallas import tpu_sc as plsc

_BATCH = 16384
_NFACT = 64
_EMBED = 128
_NATTR = 100

_NC = 2
_NS = 16
_NW = _NC * _NS
_BPW = _BATCH // _NW
_CHUNK = 128
_NCHUNK = _BPW // _CHUNK


def _sc_gather(w3, ids2, oidx):
    mesh = plsc.VectorSubcoreMesh(core_axis_name="c", subcore_axis_name="s")

    @functools.partial(
        pl.kernel,
        mesh=mesh,
        compiler_params=pltpu.CompilerParams(use_tc_tiling_on_sc=True),
        out_type=jax.ShapeDtypeStruct((_BATCH, 1, _NFACT), jnp.float32),
        scratch_types=[
            pltpu.VMEM((_BPW,), jnp.int32),
            pltpu.VMEM((_NCHUNK, _CHUNK), jnp.int32),
            pltpu.VMEM((_BPW, 1, _NFACT), jnp.float32),
            pltpu.SemaphoreType.DMA,
            pltpu.SemaphoreType.DMA,
        ],
    )
    def gather_kernel(table_hbm, idx_hbm, oidx_hbm, out_hbm, idx_v, oidx_v,
                      rows_v, gsem, ssem):
        wid = lax.axis_index("s") * _NC + lax.axis_index("c")
        base = wid * _BPW
        pltpu.sync_copy(idx_hbm.at[pl.ds(base, _BPW)], idx_v)
        for j in range(_NCHUNK):
            pltpu.sync_copy(
                oidx_hbm.at[pl.ds(base + j * _CHUNK, _CHUNK)], oidx_v.at[j]
            )
        gathers = []
        for j in range(_NCHUNK):
            gathers.append(
                pltpu.async_copy(
                    table_hbm.at[idx_v.at[pl.ds(j * _CHUNK, _CHUNK)]],
                    rows_v.at[pl.ds(j * _CHUNK, _CHUNK)],
                    gsem,
                )
            )
        for g in gathers:
            g.wait()
        scatters = []
        for j in range(_NCHUNK):
            scatters.append(
                pltpu.async_copy(
                    rows_v.at[pl.ds(j * _CHUNK, _CHUNK)],
                    out_hbm.at[oidx_v.at[j]],
                    ssem,
                )
            )
        for s in scatters:
            s.wait()

    return gather_kernel(w3, ids2, oidx)


def _af_body(attrT_ref, wdfT_ref, af_ref):
    af_ref[...] = lax.dot_general(
        attrT_ref[...],
        wdfT_ref[...],
        dimension_numbers=(((0,), (1,)), ((), ())),
        preferred_element_type=jnp.float32,
    )


def _tc_af(attrT, w_dfT):
    bb = 4096
    return pl.pallas_call(
        _af_body,
        grid=(_BATCH // bb,),
        in_specs=[
            pl.BlockSpec((_NATTR, bb), lambda i: (0, i)),
            pl.BlockSpec((_NFACT, _NATTR), lambda i: (0, 0)),
        ],
        out_specs=pl.BlockSpec((bb, _NFACT), lambda i: (i, 0)),
        out_shape=jax.ShapeDtypeStruct((_BATCH, _NFACT), jnp.float32),
        compiler_params=pltpu.CompilerParams(
            dimension_semantics=("parallel",),
        ),
    )(attrT, w_dfT)


def _emb_body(fac_ref, af_ref, wfk_ref, out_ref):
    out_ref[...] = jnp.dot(
        fac_ref[...] * af_ref[...],
        wfk_ref[...],
        preferred_element_type=jnp.float32,
    )


def _tc_emb(factor, af, w_fk):
    bb = 4096
    return pl.pallas_call(
        _emb_body,
        grid=(_BATCH // bb,),
        in_specs=[
            pl.BlockSpec((bb, _NFACT), lambda i: (i, 0)),
            pl.BlockSpec((bb, _NFACT), lambda i: (i, 0)),
            pl.BlockSpec((_NFACT, _EMBED), lambda i: (0, 0)),
        ],
        out_specs=pl.BlockSpec((bb, _EMBED), lambda i: (i, 0)),
        out_shape=jax.ShapeDtypeStruct((_BATCH, _EMBED), jnp.float32),
        compiler_params=pltpu.CompilerParams(
            dimension_semantics=("parallel",),
        ),
    )(factor, af, w_fk)


def kernel(ids, attr_vec, w_vf, w_df, w_fk):
    w3 = w_vf.reshape(100000, 1, _NFACT)
    oidx = jnp.arange(_BATCH, dtype=jnp.int32) * 2
    factor3 = _sc_gather(w3, ids * 2, oidx)
    factor = factor3.reshape(_BATCH, _NFACT)
    af = _tc_af(attr_vec.T, w_df.T)
    return _tc_emb(factor, af, w_fk)

# --- scband reference (transcript-rebuilt; emitter-appended) ---
"""Pipeline reference for scband-attributed-embedding-36335423324779 (READ-ONLY COPY).

The authoritative reference and input builder live on the scoring server;
editing this copy changes nothing except your own understanding.
"""

import jax, jax.numpy as jnp
import numpy as np

VOCAB = 100000
EMBED_DIM = 128
N_FACTORS = 64
N_ATTRS = 100
BATCH = 16384

def _xavier(key, shape):
    fan_in, fan_out = shape[0], shape[1]
    limit = float(np.sqrt(6.0 / (fan_in + fan_out)))
    return jax.random.uniform(key, shape, dtype=jnp.float32, minval=-limit, maxval=limit)

def setup_inputs(seed: int = 0) -> dict:
    key = jax.random.key(seed)
    k_ids, k_attr, k_vf, k_df, k_fk = jax.random.split(key, 5)
    ids = jax.random.randint(k_ids, (BATCH,), 0, VOCAB, dtype=jnp.int64 if jax.config.jax_enable_x64 else jnp.int32).astype(jnp.int32)
    attr_vec = jax.random.normal(k_attr, (BATCH, N_ATTRS), dtype=jnp.float32)
    w_vf = _xavier(k_vf, (VOCAB, N_FACTORS))
    w_df = _xavier(k_df, (N_ATTRS, N_FACTORS))
    w_fk = _xavier(k_fk, (N_FACTORS, EMBED_DIM))
    return {"ids": ids, "attr_vec": attr_vec, "w_vf": w_vf, "w_df": w_df, "w_fk": w_fk}

def reference(ids, attr_vec, w_vf, w_df, w_fk):
    # factor_vec = F.embedding(ids, w_vf)
    factor_vec = jnp.take(w_vf, ids, axis=0)
    # af_vec = attr_vec @ w_df
    af_vec = attr_vec @ w_df
    # emb_vec = (factor_vec * af_vec) @ w_fk
    emb_vec = (factor_vec * af_vec) @ w_fk
    return emb_vec

if __name__ == "__main__":
    import jax
    _d = setup_inputs()
    print(jax.jit(kernel)(*tuple(_d.values())))

</pallas_src>

<mosaic_0001>
#map = affine_map<(d0, d1) -> (0, 0, 0)>
#map1 = affine_map<(d0, d1) -> (0)>
module attributes {stable_mosaic.version = 14 : i64} {
  func.func @gather_kernel(%arg0: i32, %arg1: i32, %arg2: memref<100000x1x64xf32, #tpu.memory_space<hbm>>, %arg3: memref<16384xi32, #tpu.memory_space<hbm>>, %arg4: memref<16384xi32, #tpu.memory_space<hbm>>, %arg5: memref<16384x1x64xf32, #tpu.memory_space<hbm>>, %arg6: memref<512xi32, #tpu.memory_space<vmem>>, %arg7: memref<4x128xi32, #tpu.memory_space<vmem>>, %arg8: memref<512x1x64xf32, #tpu.memory_space<vmem>>, %arg9: memref<!tpu.dma_semaphore, #tpu.memory_space<semaphore_mem>>, %arg10: memref<!tpu.dma_semaphore, #tpu.memory_space<semaphore_mem>>) attributes {dimension_semantics = [#tpu.dimension_semantics<core_parallel>, #tpu.dimension_semantics<subcore_parallel>], iteration_bounds = array<i64: 2, 16>, scalar_prefetch = 0 : i64, scratch_operands = 5 : i64, tpu.core_type = #tpu.core_type<sc_vector_subcore>, window_params = [{transform_indices = #map}, {transform_indices = #map1}, {transform_indices = #map1}, {transform_indices = #map}]} {
    %mul3A = arith.constant 2 : i32
    %mul3A_0 = arith.muli %arg1, %mul3A : i32
    %add3A = arith.addi %mul3A_0, %arg0 : i32
    %mul3A_1 = arith.constant 512 : i32
    %mul3A_2 = arith.muli %add3A, %mul3A_1 : i32
    "tpu.region"() ({
      %run_scoped3A_188 = tpu.sem_alloc : memref<!tpu.dma_semaphore, #tpu.memory_space<semaphore_mem>>
      %dma_start3A_189 = tpu.memref_slice %arg3[%mul3A_2] : memref<16384xi32, #tpu.memory_space<hbm>> -> memref<512xi32, #tpu.memory_space<hbm>>
      %dma_start3A_190 = tpu.memref_slice %arg3[%mul3A_2] : memref<16384xi32, #tpu.memory_space<hbm>> -> memref<512xi32, #tpu.memory_space<hbm>>
      tpu.enqueue_dma source(%dma_start3A_190 : memref<512xi32, #tpu.memory_space<hbm>>) target(%arg6 : memref<512xi32, #tpu.memory_space<vmem>>) target_semaphore(%run_scoped3A_188 : memref<!tpu.dma_semaphore, #tpu.memory_space<semaphore_mem>>)
      %dma_wait3A_191 = tpu.memref_slice %arg3[%mul3A_2] : memref<16384xi32, #tpu.memory_space<hbm>> -> memref<512xi32, #tpu.memory_space<hbm>>
      %dma_wait3A_192 = tpu.memref_slice %arg3[%mul3A_2] : memref<16384xi32, #tpu.memory_space<hbm>> -> memref<512xi32, #tpu.memory_space<hbm>>
      tpu.wait_dma2 semaphore(%run_scoped3A_188 : memref<!tpu.dma_semaphore, #tpu.memory_space<semaphore_mem>>) src(%dma_wait3A_192 : memref<512xi32, #tpu.memory_space<hbm>>) dst(%arg6 : memref<512xi32, #tpu.memory_space<vmem>>)
      tpu.yield
    }) : () -> ()
    %add3A_3 = arith.constant 0 : i32
    %add3A_4 = arith.addi %mul3A_2, %add3A_3 : i32
    %run_scoped3A = arith.constant 0 : i32
    "tpu.region"() ({
      %run_scoped3A_188 = tpu.sem_alloc : memref<!tpu.dma_semaphore, #tpu.memory_space<semaphore_mem>>
      %dma_start3A_189 = arith.constant 0 : i32
      %dma_start3A_190 = tpu.memref_slice %arg7[%run_scoped3A, %dma_start3A_189] : memref<4x128xi32, #tpu.memory_space<vmem>> -> memref<1x128xi32, #tpu.memory_space<vmem>>
      %dma_start3A_191 = tpu.memref_squeeze %dma_start3A_190 : memref<1x128xi32, #tpu.memory_space<vmem>> -> memref<128xi32, #tpu.memory_space<vmem>>
      %dma_start3A_192 = tpu.memref_slice %arg4[%add3A_4] : memref<16384xi32, #tpu.memory_space<hbm>> -> memref<128xi32, #tpu.memory_space<hbm>>
      %dma_start3A_193 = arith.constant 0 : i32
      %dma_start3A_194 = tpu.memref_slice %arg7[%run_scoped3A, %dma_start3A_193] : memref<4x128xi32, #tpu.memory_space<vmem>> -> memref<1x128xi32, #tpu.memory_space<vmem>>
      %dma_start3A_195 = tpu.memref_squeeze %dma_start3A_194 : memref<1x128xi32, #tpu.memory_space<vmem>> -> memref<128xi32, #tpu.memory_space<vmem>>
      %dma_start3A_196 = tpu.memref_slice %arg4[%add3A_4] : memref<16384xi32, #tpu.memory_space<hbm>> -> memref<128xi32, #tpu.memory_space<hbm>>
      tpu.enqueue_dma source(%dma_start3A_196 : memref<128xi32, #tpu.memory_space<hbm>>) target(%dma_start3A_195 : memref<128xi32, #tpu.memory_space<vmem>>) target_semaphore(%run_scoped3A_188 : memref<!tpu.dma_semaphore, #tpu.memory_space<semaphore_mem>>)
      %dma_wait3A_197 = arith.constant 0 : i32
      %dma_wait3A_198 = tpu.memref_slice %arg7[%run_scoped3A, %dma_wait3A_197] : memref<4x128xi32, #tpu.memory_space<vmem>> -> memref<1x128xi32, #tpu.memory_space<vmem>>
      %dma_wait3A_199 = tpu.memref_squeeze %dma_wait3A_198 : memref<1x128xi32, #tpu.memory_space<vmem>> -> memref<128xi32, #tpu.memory_space<vmem>>
      %dma_wait3A_200 = tpu.memref_slice %arg4[%add3A_4] : memref<16384xi32, #tpu.memory_space<hbm>> -> memref<128xi32, #tpu.memory_space<hbm>>
      %dma_wait3A_201 = arith.constant 0 : i32
      %dma_wait3A_202 = tpu.memref_slice %arg7[%run_scoped3A, %dma_wait3A_201] : memref<4x128xi32, #tpu.memory_space<vmem>> -> memref<1x128xi32, #tpu.memory_space<vmem>>
      %dma_wait3A_203 = tpu.memref_squeeze %dma_wait3A_202 : memref<1x128xi32, #tpu.memory_space<vmem>> -> memref<128xi32, #tpu.memory_space<vmem>>
      %dma_wait3A_204 = tpu.memref_slice %arg4[%add3A_4] : memref<16384xi32, #tpu.memory_space<hbm>> -> memref<128xi32, #tpu.memory_space<hbm>>
      tpu.wait_dma2 semaphore(%run_scoped3A_188 : memref<!tpu.dma_semaphore, #tpu.memory_space<semaphore_mem>>) src(%dma_wait3A_204 : memref<128xi32, #tpu.memory_space<hbm>>) dst(%dma_wait3A_203 : memref<128xi32, #tpu.memory_space<vmem>>)
      tpu.yield
    }) : () -> ()
    %add3A_5 = arith.constant 128 : i32
    %add3A_6 = arith.addi %mul3A_2, %add3A_5 : i32
    %run_scoped3A_7 = arith.constant 1 : i32
    "tpu.region"() ({
      %run_scoped3A_188 = tpu.sem_alloc : memref<!tpu.dma_semaphore, #tpu.memory_space<semaphore_mem>>
      %dma_start3A_189 = arith.constant 0 : i32
      %dma_start3A_190 = tpu.memref_slice %arg7[%run_scoped3A_7, %dma_start3A_189] : memref<4x128xi32, #tpu.memory_space<vmem>> -> memref<1x128xi32, #tpu.memory_space<vmem>>
      %dma_start3A_191 = tpu.memref_squeeze %dma_start3A_190 : memref<1x128xi32, #tpu.memory_space<vmem>> -> memref<128xi32, #tpu.memory_space<vmem>>
      %dma_start3A_192 = tpu.memref_slice %arg4[%add3A_6] : memref<16384xi32, #tpu.memory_space<hbm>> -> memref<128xi32, #tpu.memory_space<hbm>>
      %dma_start3A_193 = arith.constant 0 : i32
      %dma_start3A_194 = tpu.memref_slice %arg7[%run_scoped3A_7, %dma_start3A_193] : memref<4x128xi32, #tpu.memory_space<vmem>> -> memref<1x128xi32, #tpu.memory_space<vmem>>
      %dma_start3A_195 = tpu.memref_squeeze %dma_start3A_194 : memref<1x128xi32, #tpu.memory_space<vmem>> -> memref<128xi32, #tpu.memory_space<vmem>>
      %dma_start3A_196 = tpu.memref_slice %arg4[%add3A_6] : memref<16384xi32, #tpu.memory_space<hbm>> -> memref<128xi32, #tpu.memory_space<hbm>>
      tpu.enqueue_dma source(%dma_start3A_196 : memref<128xi32, #tpu.memory_space<hbm>>) target(%dma_start3A_195 : memref<128xi32, #tpu.memory_space<vmem>>) target_semaphore(%run_scoped3A_188 : memref<!tpu.dma_semaphore, #tpu.memory_space<semaphore_mem>>)
      %dma_wait3A_197 = arith.constant 0 : i32
      %dma_wait3A_198 = tpu.memref_slice %arg7[%run_scoped3A_7, %dma_wait3A_197] : memref<4x128xi32, #tpu.memory_space<vmem>> -> memref<1x128xi32, #tpu.memory_space<vmem>>
      %dma_wait3A_199 = tpu.memref_squeeze %dma_wait3A_198 : memref<1x128xi32, #tpu.memory_space<vmem>> -> memref<128xi32, #tpu.memory_space<vmem>>
      %dma_wait3A_200 = tpu.memref_slice %arg4[%add3A_6] : memref<16384xi32, #tpu.memory_space<hbm>> -> memref<128xi32, #tpu.memory_space<hbm>>
      %dma_wait3A_201 = arith.constant 0 : i32
      %dma_wait3A_202 = tpu.memref_slice %arg7[%run_scoped3A_7, %dma_wait3A_201] : memref<4x128xi32, #tpu.memory_space<vmem>> -> memref<1x128xi32, #tpu.memory_space<vmem>>
      %dma_wait3A_203 = tpu.memref_squeeze %dma_wait3A_202 : memref<1x128xi32, #tpu.memory_space<vmem>> -> memref<128xi32, #tpu.memory_space<vmem>>
      %dma_wait3A_204 = tpu.memref_slice %arg4[%add3A_6] : memref<16384xi32, #tpu.memory_space<hbm>> -> memref<128xi32, #tpu.memory_space<hbm>>
      tpu.wait_dma2 semaphore(%run_scoped3A_188 : memref<!tpu.dma_semaphore, #tpu.memory_space<semaphore_mem>>) src(%dma_wait3A_204 : memref<128xi32, #tpu.memory_space<hbm>>) dst(%dma_wait3A_203 : memref<128xi32, #tpu.memory_space<vmem>>)
      tpu.yield
    }) : () -> ()
    %add3A_8 = arith.constant 256 : i32
    %add3A_9 = arith.addi %mul3A_2, %add3A_8 : i32
    %run_scoped3A_10 = arith.constant 2 : i32
    "tpu.region"() ({
      %run_scoped3A_188 = tpu.sem_alloc : memref<!tpu.dma_semaphore, #tpu.memory_space<semaphore_mem>>
      %dma_start3A_189 = arith.constant 0 : i32
      %dma_start3A_190 = tpu.memref_slice %arg7[%run_scoped3A_10, %dma_start3A_189] : memref<4x128xi32, #tpu.memory_space<vmem>> -> memref<1x128xi32, #tpu.memory_space<vmem>>
      %dma_start3A_191 = tpu.memref_squeeze %dma_start3A_190 : memref<1x128xi32, #tpu.memory_space<vmem>> -> memref<128xi32, #tpu.memory_space<vmem>>
      %dma_start3A_192 = tpu.memref_slice %arg4[%add3A_9] : memref<16384xi32, #tpu.memory_space<hbm>> -> memref<128xi32, #tpu.memory_space<hbm>>
      %dma_start3A_193 = arith.constant 0 : i32
      %dma_start3A_194 = tpu.memref_slice %arg7[%run_scoped3A_10, %dma_start3A_193] : memref<4x128xi32, #tpu.memory_space<vmem>> -> memref<1x128xi32, #tpu.memory_space<vmem>>
      %dma_start3A_195 = tpu.memref_squeeze %dma_start3A_194 : memref<1x128xi32, #tpu.memory_space<vmem>> -> memref<128xi32, #tpu.memory_space<vmem>>
      %dma_start3A_196 = tpu.memref_slice %arg4[%add3A_9] : memref<16384xi32, #tpu.memory_space<hbm>> -> memref<128xi32, #tpu.memory_space<hbm>>
      tpu.enqueue_dma source(%dma_start3A_196 : memref<128xi32, #tpu.memory_space<hbm>>) target(%dma_start3A_195 : memref<128xi32, #tpu.memory_space<vmem>>) target_semaphore(%run_scoped3A_188 : memref<!tpu.dma_semaphore, #tpu.memory_space<semaphore_mem>>)
      %dma_wait3A_197 = arith.constant 0 : i32
      %dma_wait3A_198 = tpu.memref_slice %arg7[%run_scoped3A_10, %dma_wait3A_197] : memref<4x128xi32, #tpu.memory_space<vmem>> -> memref<1x128xi32, #tpu.memory_space<vmem>>
      %dma_wait3A_199 = tpu.memref_squeeze %dma_wait3A_198 : memref<1x128xi32, #tpu.memory_space<vmem>> -> memref<128xi32, #tpu.memory_space<vmem>>
      %dma_wait3A_200 = tpu.memref_slice %arg4[%add3A_9] : memref<16384xi32, #tpu.memory_space<hbm>> -> memref<128xi32, #tpu.memory_space<hbm>>
      %dma_wait3A_201 = arith.constant 0 : i32
      %dma_wait3A_202 = tpu.memref_slice %arg7[%run_scoped3A_10, %dma_wait3A_201] : memref<4x128xi32, #tpu.memory_space<vmem>> -> memref<1x128xi32, #tpu.memory_space<vmem>>
      %dma_wait3A_203 = tpu.memref_squeeze %dma_wait3A_202 : memref<1x128xi32, #tpu.memory_space<vmem>> -> memref<128xi32, #tpu.memory_space<vmem>>
      %dma_wait3A_204 = tpu.memref_slice %arg4[%add3A_9] : memref<16384xi32, #tpu.memory_space<hbm>> -> memref<128xi32, #tpu.memory_space<hbm>>
      tpu.wait_dma2 semaphore(%run_scoped3A_188 : memref<!tpu.dma_semaphore, #tpu.memory_space<semaphore_mem>>) src(%dma_wait3A_204 : memref<128xi32, #tpu.memory_space<hbm>>) dst(%dma_wait3A_203 : memref<128xi32, #tpu.memory_space<vmem>>)
      tpu.yield
    }) : () -> ()
    %add3A_11 = arith.constant 384 : i32
    %add3A_12 = arith.addi %mul3A_2, %add3A_11 : i32
    %run_scoped3A_13 = arith.constant 3 : i32
    "tpu.region"() ({
      %run_scoped3A_188 = tpu.sem_alloc : memref<!tpu.dma_semaphore, #tpu.memory_space<semaphore_mem>>
      %dma_start3A_189 = arith.constant 0 : i32
      %dma_start3A_190 = tpu.memref_slice %arg7[%run_scoped3A_13, %dma_start3A_189] : memref<4x128xi32, #tpu.memory_space<vmem>> -> memref<1x128xi32, #tpu.memory_space<vmem>>
      %dma_start3A_191 = tpu.memref_squeeze %dma_start3A_190 : memref<1x128xi32, #tpu.memory_space<vmem>> -> memref<128xi32, #tpu.memory_space<vmem>>
      %dma_start3A_192 = tpu.memref_slice %arg4[%add3A_12] : memref<16384xi32, #tpu.memory_space<hbm>> -> memref<128xi32, #tpu.memory_space<hbm>>
      %dma_start3A_193 = arith.constant 0 : i32
      %dma_start3A_194 = tpu.memref_slice %arg7[%run_scoped3A_13, %dma_start3A_193] : memref<4x128xi32, #tpu.memory_space<vmem>> -> memref<1x128xi32, #tpu.memory_space<vmem>>
      %dma_start3A_195 = tpu.memref_squeeze %dma_start3A_194 : memref<1x128xi32, #tpu.memory_space<vmem>> -> memref<128xi32, #tpu.memory_space<vmem>>
      %dma_start3A_196 = tpu.memref_slice %arg4[%add3A_12] : memref<16384xi32, #tpu.memory_space<hbm>> -> memref<128xi32, #tpu.memory_space<hbm>>
      tpu.enqueue_dma source(%dma_start3A_196 : memref<128xi32, #tpu.memory_space<hbm>>) target(%dma_start3A_195 : memref<128xi32, #tpu.memory_space<vmem>>) target_semaphore(%run_scoped3A_188 : memref<!tpu.dma_semaphore, #tpu.memory_space<semaphore_mem>>)
      %dma_wait3A_197 = arith.constant 0 : i32
      %dma_wait3A_198 = tpu.memref_slice %arg7[%run_scoped3A_13, %dma_wait3A_197] : memref<4x128xi32, #tpu.memory_space<vmem>> -> memref<1x128xi32, #tpu.memory_space<vmem>>
      %dma_wait3A_199 = tpu.memref_squeeze %dma_wait3A_198 : memref<1x128xi32, #tpu.memory_space<vmem>> -> memref<128xi32, #tpu.memory_space<vmem>>
      %dma_wait3A_200 = tpu.memref_slice %arg4[%add3A_12] : memref<16384xi32, #tpu.memory_space<hbm>> -> memref<128xi32, #tpu.memory_space<hbm>>
      %dma_wait3A_201 = arith.constant 0 : i32
      %dma_wait3A_202 = tpu.memref_slice %arg7[%run_scoped3A_13, %dma_wait3A_201] : memref<4x128xi32, #tpu.memory_space<vmem>> -> memref<1x128xi32, #tpu.memory_space<vmem>>
      %dma_wait3A_203 = tpu.memref_squeeze %dma_wait3A_202 : memref<1x128xi32, #tpu.memory_space<vmem>> -> memref<128xi32, #tpu.memory_space<vmem>>
      %dma_wait3A_204 = tpu.memref_slice %arg4[%add3A_12] : memref<16384xi32, #tpu.memory_space<hbm>> -> memref<128xi32, #tpu.memory_space<hbm>>
      tpu.wait_dma2 semaphore(%run_scoped3A_188 : memref<!tpu.dma_semaphore, #tpu.memory_space<semaphore_mem>>) src(%dma_wait3A_204 : memref<128xi32, #tpu.memory_space<hbm>>) dst(%dma_wait3A_203 : memref<128xi32, #tpu.memory_space<vmem>>)
      tpu.yield
    }) : () -> ()
    %dma_start3A = arith.constant 0 : i32
    %dma_start3A_14 = arith.constant 0 : i32
    %dma_start3A_15 = arith.constant 0 : i32
    %dma_start3A_16 = tpu.memref_slice %arg8[%dma_start3A, %dma_start3A_14, %dma_start3A_15] : memref<512x1x64xf32, #tpu.memory_space<vmem>> -> memref<128x1x64xf32, #tpu.memory_space<vmem>>
    %dma_start3A_17 = arith.constant 0 : i32
    %dma_start3A_18 = tpu.memref_slice %arg6[%dma_start3A_17] : memref<512xi32, #tpu.memory_space<vmem>> -> memref<128xi32, #tpu.memory_space<vmem>>
    %dma_start3A_19 = arith.constant 0 : i32
    %dma_start3A_20 = arith.constant 0 : i32
    %dma_start3A_21 = arith.constant 0 : i32
    %dma_start3A_22 = tpu.memref_slice %arg2[%dma_start3A_19, %dma_start3A_20, %dma_start3A_21] : memref<100000x1x64xf32, #tpu.memory_space<hbm>> -> memref<100000x1x64xf32, #tpu.memory_space<hbm>>
    tpu.enqueue_indirect_dma source(%dma_start3A_22 : memref<100000x1x64xf32, #tpu.memory_space<hbm>>) target(%dma_start3A_16 : memref<128x1x64xf32, #tpu.memory_space<vmem>>) offsets(%dma_start3A_18 : memref<128xi32, #tpu.memory_space<vmem>>) semaphore(%arg9 : memref<!tpu.dma_semaphore, #tpu.memory_space<semaphore_mem>>)
    %dma_start3A_23 = arith.constant 128 : i32
    %dma_start3A_24 = arith.constant 0 : i32
    %dma_start3A_25 = arith.constant 0 : i32
    %dma_start3A_26 = tpu.memref_slice %arg8[%dma_start3A_23, %dma_start3A_24, %dma_start3A_25] : memref<512x1x64xf32, #tpu.memory_space<vmem>> -> memref<128x1x64xf32, #tpu.memory_space<vmem>>
    %dma_start3A_27 = arith.constant 128 : i32
    %dma_start3A_28 = tpu.memref_slice %arg6[%dma_start3A_27] : memref<512xi32, #tpu.memory_space<vmem>> -> memref<128xi32, #tpu.memory_space<vmem>>
    %dma_start3A_29 = arith.constant 0 : i32
    %dma_start3A_30 = arith.constant 0 : i32
    %dma_start3A_31 = arith.constant 0 : i32
    %dma_start3A_32 = tpu.memref_slice %arg2[%dma_start3A_29, %dma_start3A_30, %dma_start3A_31] : memref<100000x1x64xf32, #tpu.memory_space<hbm>> -> memref<100000x1x64xf32, #tpu.memory_space<hbm>>
    tpu.enqueue_indirect_dma source(%dma_start3A_32 : memref<100000x1x64xf32, #tpu.memory_space<hbm>>) target(%dma_start3A_26 : memref<128x1x64xf32, #tpu.memory_space<vmem>>) offsets(%dma_start3A_28 : memref<128xi32, #tpu.memory_space<vmem>>) semaphore(%arg9 : memref<!tpu.dma_semaphore, #tpu.memory_space<semaphore_mem>>)
    %dma_start3A_33 = arith.constant 256 : i32
    %dma_start3A_34 = arith.constant 0 : i32
    %dma_start3A_35 = arith.constant 0 : i32
    %dma_start3A_36 = tpu.memref_slice %arg8[%dma_start3A_33, %dma_start3A_34, %dma_start3A_35] : memref<512x1x64xf32, #tpu.memory_space<vmem>> -> memref<128x1x64xf32, #tpu.memory_space<vmem>>
    %dma_start3A_37 = arith.constant 256 : i32
    %dma_start3A_38 = tpu.memref_slice %arg6[%dma_start3A_37] : memref<512xi32, #tpu.memory_space<vmem>> -> memref<128xi32, #tpu.memory_space<vmem>>
    %dma_start3A_39 = arith.constant 0 : i32
    %dma_start3A_40 = arith.constant 0 : i32
    %dma_start3A_41 = arith.constant 0 : i32
    %dma_start3A_42 = tpu.memref_slice %arg2[%dma_start3A_39, %dma_start3A_40, %dma_start3A_41] : memref<100000x1x64xf32, #tpu.memory_space<hbm>> -> memref<100000x1x64xf32, #tpu.memory_space<hbm>>
    tpu.enqueue_indirect_dma source(%dma_start3A_42 : memref<100000x1x64xf32, #tpu.memory_space<hbm>>) target(%dma_start3A_36 : memref<128x1x64xf32, #tpu.memory_space<vmem>>) offsets(%dma_start3A_38 : memref<128xi32, #tpu.memory_space<vmem>>) semaphore(%arg9 : memref<!tpu.dma_semaphore, #tpu.memory_space<semaphore_mem>>)
    %dma_start3A_43 = arith.constant 384 : i32
    %dma_start3A_44 = arith.constant 0 : i32
    %dma_start3A_45 = arith.constant 0 : i32
    %dma_start3A_46 = tpu.memref_slice %arg8[%dma_start3A_43, %dma_start3A_44, %dma_start3A_45] : memref<512x1x64xf32, #tpu.memory_space<vmem>> -> memref<128x1x64xf32, #tpu.memory_space<vmem>>
    %dma_start3A_47 = arith.constant 384 : i32
    %dma_start3A_48 = tpu.memref_slice %arg6[%dma_start3A_47] : memref<512xi32, #tpu.memory_space<vmem>> -> memref<128xi32, #tpu.memory_space<vmem>>
    %dma_start3A_49 = arith.constant 0 : i32
    %dma_start3A_50 = arith.constant 0 : i32
    %dma_start3A_51 = arith.constant 0 : i32
    %dma_start3A_52 = tpu.memref_slice %arg2[%dma_start3A_49, %dma_start3A_50, %dma_start3A_51] : memref<100000x1x64xf32, #tpu.memory_space<hbm>> -> memref<100000x1x64xf32, #tpu.memory_space<hbm>>
    tpu.enqueue_indirect_dma source(%dma_start3A_52 : memref<100000x1x64xf32, #tpu.memory_space<hbm>>) target(%dma_start3A_46 : memref<128x1x64xf32, #tpu.memory_space<vmem>>) offsets(%dma_start3A_48 : memref<128xi32, #tpu.memory_space<vmem>>) semaphore(%arg9 : memref<!tpu.dma_semaphore, #tpu.memory_space<semaphore_mem>>)
    %dma_wait3A = arith.constant 0 : i32
    %dma_wait3A_53 = arith.constant 0 : i32
    %dma_wait3A_54 = arith.constant 0 : i32
    %dma_wait3A_55 = tpu.memref_slice %arg8[%dma_wait3A, %dma_wait3A_53, %dma_wait3A_54] : memref<512x1x64xf32, #tpu.memory_space<vmem>> -> memref<128x1x64xf32, #tpu.memory_space<vmem>>
    %dma_wait3A_56 = arith.constant 0 : i32
    %dma_wait3A_57 = tpu.memref_slice %arg6[%dma_wait3A_56] : memref<512xi32, #tpu.memory_space<vmem>> -> memref<128xi32, #tpu.memory_space<vmem>>
    %dma_wait3A_58 = arith.constant 0 : i32
    %dma_wait3A_59 = arith.constant 0 : i32
    %dma_wait3A_60 = arith.constant 0 : i32
    %dma_wait3A_61 = tpu.memref_slice %arg2[%dma_wait3A_58, %dma_wait3A_59, %dma_wait3A_60] : memref<100000x1x64xf32, #tpu.memory_space<hbm>> -> memref<100000x1x64xf32, #tpu.memory_space<hbm>>
    tpu.wait_indirect_dma semaphore(%arg9 : memref<!tpu.dma_semaphore, #tpu.memory_space<semaphore_mem>>) src(%dma_wait3A_61 : memref<100000x1x64xf32, #tpu.memory_space<hbm>>) dst(%dma_wait3A_55 : memref<128x1x64xf32, #tpu.memory_space<vmem>>)
    %dma_wait3A_62 = arith.constant 128 : i32
    %dma_wait3A_63 = arith.constant 0 : i32
    %dma_wait3A_64 = arith.constant 0 : i32
    %dma_wait3A_65 = tpu.memref_slice %arg8[%dma_wait3A_62, %dma_wait3A_63, %dma_wait3A_64] : memref<512x1x64xf32, #tpu.memory_space<vmem>> -> memref<128x1x64xf32, #tpu.memory_space<vmem>>
    %dma_wait3A_66 = arith.constant 128 : i32
    %dma_wait3A_67 = tpu.memref_slice %arg6[%dma_wait3A_66] : memref<512xi32, #tpu.memory_space<vmem>> -> memref<128xi32, #tpu.memory_space<vmem>>
    %dma_wait3A_68 = arith.constant 0 : i32
    %dma_wait3A_69 = arith.constant 0 : i32
    %dma_wait3A_70 = arith.constant 0 : i32
    %dma_wait3A_71 = tpu.memref_slice %arg2[%dma_wait3A_68, %dma_wait3A_69, %dma_wait3A_70] : memref<100000x1x64xf32, #tpu.memory_space<hbm>> -> memref<100000x1x64xf32, #tpu.memory_space<hbm>>
    tpu.wait_indirect_dma semaphore(%arg9 : memref<!tpu.dma_semaphore, #tpu.memory_space<semaphore_mem>>) src(%dma_wait3A_71 : memref<100000x1x64xf32, #tpu.memory_space<hbm>>) dst(%dma_wait3A_65 : memref<128x1x64xf32, #tpu.memory_space<vmem>>)
    %dma_wait3A_72 = arith.constant 256 : i32
    %dma_wait3A_73 = arith.constant 0 : i32
    %dma_wait3A_74 = arith.constant 0 : i32
    %dma_wait3A_75 = tpu.memref_slice %arg8[%dma_wait3A_72, %dma_wait3A_73, %dma_wait3A_74] : memref<512x1x64xf32, #tpu.memory_space<vmem>> -> memref<128x1x64xf32, #tpu.memory_space<vmem>>
    %dma_wait3A_76 = arith.constant 256 : i32
    %dma_wait3A_77 = tpu.memref_slice %arg6[%dma_wait3A_76] : memref<512xi32, #tpu.memory_space<vmem>> -> memref<128xi32, #tpu.memory_space<vmem>>
    %dma_wait3A_78 = arith.constant 0 : i32
    %dma_wait3A_79 = arith.constant 0 : i32
    %dma_wait3A_80 = arith.constant 0 : i32
    %dma_wait3A_81 = tpu.memref_slice %arg2[%dma_wait3A_78, %dma_wait3A_79, %dma_wait3A_80] : memref<100000x1x64xf32, #tpu.memory_space<hbm>> -> memref<100000x1x64xf32, #tpu.memory_space<hbm>>
    tpu.wait_indirect_dma semaphore(%arg9 : memref<!tpu.dma_semaphore, #tpu.memory_space<semaphore_mem>>) src(%dma_wait3A_81 : memref<100000x1x64xf32, #tpu.memory_space<hbm>>) dst(%dma_wait3A_75 : memref<128x1x64xf32, #tpu.memory_space<vmem>>)
    %dma_wait3A_82 = arith.constant 384 : i32
    %dma_wait3A_83 = arith.constant 0 : i32
    %dma_wait3A_84 = arith.constant 0 : i32
    %dma_wait3A_85 = tpu.memref_slice %arg8[%dma_wait3A_82, %dma_wait3A_83, %dma_wait3A_84] : memref<512x1x64xf32, #tpu.memory_space<vmem>> -> memref<128x1x64xf32, #tpu.memory_space<vmem>>
    %dma_wait3A_86 = arith.constant 384 : i32
    %dma_wait3A_87 = tpu.memref_slice %arg6[%dma_wait3A_86] : memref<512xi32, #tpu.memory_space<vmem>> -> memref<128xi32, #tpu.memory_space<vmem>>
    %dma_wait3A_88 = arith.constant 0 : i32
    %dma_wait3A_89 = arith.constant 0 : i32
    %dma_wait3A_90 = arith.constant 0 : i32
    %dma_wait3A_91 = tpu.memref_slice %arg2[%dma_wait3A_88, %dma_wait3A_89, %dma_wait3A_90] : memref<100000x1x64xf32, #tpu.memory_space<hbm>> -> memref<100000x1x64xf32, #tpu.memory_space<hbm>>
    tpu.wait_indirect_dma semaphore(%arg9 : memref<!tpu.dma_semaphore, #tpu.memory_space<semaphore_mem>>) src(%dma_wait3A_91 : memref<100000x1x64xf32, #tpu.memory_space<hbm>>) dst(%dma_wait3A_85 : memref<128x1x64xf32, #tpu.memory_space<vmem>>)
    %dma_start3A_92 = arith.constant 0 : i32
    %dma_start3A_93 = arith.constant 0 : i32
    %dma_start3A_94 = arith.constant 0 : i32
    %dma_start3A_95 = arith.constant 0 : i32
    %dma_start3A_96 = tpu.memref_slice %arg8[%dma_start3A_93, %dma_start3A_94, %dma_start3A_95] : memref<512x1x64xf32, #tpu.memory_space<vmem>> -> memref<128x1x64xf32, #tpu.memory_space<vmem>>
    %dma_start3A_97 = arith.constant 0 : i32
    %dma_start3A_98 = tpu.memref_slice %arg7[%dma_start3A_92, %dma_start3A_97] : memref<4x128xi32, #tpu.memory_space<vmem>> -> memref<1x128xi32, #tpu.memory_space<vmem>>
    %dma_start3A_99 = tpu.memref_squeeze %dma_start3A_98 : memref<1x128xi32, #tpu.memory_space<vmem>> -> memref<128xi32, #tpu.memory_space<vmem>>
    %dma_start3A_100 = arith.constant 0 : i32
    %dma_start3A_101 = arith.constant 0 : i32
    %dma_start3A_102 = arith.constant 0 : i32
    %dma_start3A_103 = tpu.memref_slice %arg5[%dma_start3A_100, %dma_start3A_101, %dma_start3A_102] : memref<16384x1x64xf32, #tpu.memory_space<hbm>> -> memref<16384x1x64xf32, #tpu.memory_space<hbm>>
    tpu.enqueue_indirect_dma source(%dma_start3A_96 : memref<128x1x64xf32, #tpu.memory_space<vmem>>) target(%dma_start3A_103 : memref<16384x1x64xf32, #tpu.memory_space<hbm>>) offsets(%dma_start3A_99 : memref<128xi32, #tpu.memory_space<vmem>>) semaphore(%arg10 : memref<!tpu.dma_semaphore, #tpu.memory_space<semaphore_mem>>)
    %dma_start3A_104 = arith.constant 1 : i32
    %dma_start3A_105 = arith.constant 128 : i32
    %dma_start3A_106 = arith.constant 0 : i32
    %dma_start3A_107 = arith.constant 0 : i32
    %dma_start3A_108 = tpu.memref_slice %arg8[%dma_start3A_105, %dma_start3A_106, %dma_start3A_107] : memref<512x1x64xf32, #tpu.memory_space<vmem>> -> memref<128x1x64xf32, #tpu.memory_space<vmem>>
    %dma_start3A_109 = arith.constant 0 : i32
    %dma_start3A_110 = tpu.memref_slice %arg7[%dma_start3A_104, %dma_start3A_109] : memref<4x128xi32, #tpu.memory_space<vmem>> -> memref<1x128xi32, #tpu.memory_space<vmem>>
    %dma_start3A_111 = tpu.memref_squeeze %dma_start3A_110 : memref<1x128xi32, #tpu.memory_space<vmem>> -> memref<128xi32, #tpu.memory_space<vmem>>
    %dma_start3A_112 = arith.constant 0 : i32
    %dma_start3A_113 = arith.constant 0 : i32
    %dma_start3A_114 = arith.constant 0 : i32
    %dma_start3A_115 = tpu.memref_slice %arg5[%dma_start3A_112, %dma_start3A_113, %dma_start3A_114] : memref<16384x1x64xf32, #tpu.memory_space<hbm>> -> memref<16384x1x64xf32, #tpu.memory_space<hbm>>
    tpu.enqueue_indirect_dma source(%dma_start3A_108 : memref<128x1x64xf32, #tpu.memory_space<vmem>>) target(%dma_start3A_115 : memref<16384x1x64xf32, #tpu.memory_space<hbm>>) offsets(%dma_start3A_111 : memref<128xi32, #tpu.memory_space<vmem>>) semaphore(%arg10 : memref<!tpu.dma_semaphore, #tpu.memory_space<semaphore_mem>>)
    %dma_start3A_116 = arith.constant 2 : i32
    %dma_start3A_117 = arith.constant 256 : i32
    %dma_start3A_118 = arith.constant 0 : i32
    %dma_start3A_119 = arith.constant 0 : i32
    %dma_start3A_120 = tpu.memref_slice %arg8[%dma_start3A_117, %dma_start3A_118, %dma_start3A_119] : memref<512x1x64xf32, #tpu.memory_space<vmem>> -> memref<128x1x64xf32, #tpu.memory_space<vmem>>
    %dma_start3A_121 = arith.constant 0 : i32
    %dma_start3A_122 = tpu.memref_slice %arg7[%dma_start3A_116, %dma_start3A_121] : memref<4x128xi32, #tpu.memory_space<vmem>> -> memref<1x128xi32, #tpu.memory_space<vmem>>
    %dma_start3A_123 = tpu.memref_squeeze %dma_start3A_122 : memref<1x128xi32, #tpu.memory_space<vmem>> -> memref<128xi32, #tpu.memory_space<vmem>>
    %dma_start3A_124 = arith.constant 0 : i32
    %dma_start3A_125 = arith.constant 0 : i32
    %dma_start3A_126 = arith.constant 0 : i32
    %dma_start3A_127 = tpu.memref_slice %arg5[%dma_start3A_124, %dma_start3A_125, %dma_start3A_126] : memref<16384x1x64xf32, #tpu.memory_space<hbm>> -> memref<16384x1x64xf32, #tpu.memory_space<hbm>>
    tpu.enqueue_indirect_dma source(%dma_start3A_120 : memref<128x1x64xf32, #tpu.memory_space<vmem>>) target(%dma_start3A_127 : memref<16384x1x64xf32, #tpu.memory_space<hbm>>) offsets(%dma_start3A_123 : memref<128xi32, #tpu.memory_space<vmem>>) semaphore(%arg10 : memref<!tpu.dma_semaphore, #tpu.memory_space<semaphore_mem>>)
    %dma_start3A_128 = arith.constant 3 : i32
    %dma_start3A_129 = arith.constant 384 : i32
    %dma_start3A_130 = arith.constant 0 : i32
    %dma_start3A_131 = arith.constant 0 : i32
    %dma_start3A_132 = tpu.memref_slice %arg8[%dma_start3A_129, %dma_start3A_130, %dma_start3A_131] : memref<512x1x64xf32, #tpu.memory_space<vmem>> -> memref<128x1x64xf32, #tpu.memory_space<vmem>>
    %dma_start3A_133 = arith.constant 0 : i32
    %dma_start3A_134 = tpu.memref_slice %arg7[%dma_start3A_128, %dma_start3A_133] : memref<4x128xi32, #tpu.memory_space<vmem>> -> memref<1x128xi32, #tpu.memory_space<vmem>>
    %dma_start3A_135 = tpu.memref_squeeze %dma_start3A_134 : memref<1x128xi32, #tpu.memory_space<vmem>> -> memref<128xi32, #tpu.memory_space<vmem>>
    %dma_start3A_136 = arith.constant 0 : i32
    %dma_start3A_137 = arith.constant 0 : i32
    %dma_start3A_138 = arith.constant 0 : i32
    %dma_start3A_139 = tpu.memref_slice %arg5[%dma_start3A_136, %dma_start3A_137, %dma_start3A_138] : memref<16384x1x64xf32, #tpu.memory_space<hbm>> -> memref<16384x1x64xf32, #tpu.memory_space<hbm>>
    tpu.enqueue_indirect_dma source(%dma_start3A_132 : memref<128x1x64xf32, #tpu.memory_space<vmem>>) target(%dma_start3A_139 : memref<16384x1x64xf32, #tpu.memory_space<hbm>>) offsets(%dma_start3A_135 : memref<128xi32, #tpu.memory_space<vmem>>) semaphore(%arg10 : memref<!tpu.dma_semaphore, #tpu.memory_space<semaphore_mem>>)
    %dma_wait3A_140 = arith.constant 0 : i32
    %dma_wait3A_141 = arith.constant 0 : i32
    %dma_wait3A_142 = arith.constant 0 : i32
    %dma_wait3A_143 = arith.constant 0 : i32
    %dma_wait3A_144 = tpu.memref_slice %arg8[%dma_wait3A_141, %dma_wait3A_142, %dma_wait3A_143] : memref<512x1x64xf32, #tpu.memory_space<vmem>> -> memref<128x1x64xf32, #tpu.memory_space<vmem>>
    %dma_wait3A_145 = arith.constant 0 : i32
    %dma_wait3A_146 = tpu.memref_slice %arg7[%dma_wait3A_140, %dma_wait3A_145] : memref<4x128xi32, #tpu.memory_space<vmem>> -> memref<1x128xi32, #tpu.memory_space<vmem>>
    %dma_wait3A_147 = tpu.memref_squeeze %dma_wait3A_146 : memref<1x128xi32, #tpu.memory_space<vmem>> -> memref<128xi32, #tpu.memory_space<vmem>>
    %dma_wait3A_148 = arith.constant 0 : i32
    %dma_wait3A_149 = arith.constant 0 : i32
    %dma_wait3A_150 = arith.constant 0 : i32
    %dma_wait3A_151 = tpu.memref_slice %arg5[%dma_wait3A_148, %dma_wait3A_149, %dma_wait3A_150] : memref<16384x1x64xf32, #tpu.memory_space<hbm>> -> memref<16384x1x64xf32, #tpu.memory_space<hbm>>
    tpu.wait_indirect_dma semaphore(%arg10 : memref<!tpu.dma_semaphore, #tpu.memory_space<semaphore_mem>>) src(%dma_wait3A_144 : memref<128x1x64xf32, #tpu.memory_space<vmem>>) dst(%dma_wait3A_151 : memref<16384x1x64xf32, #tpu.memory_space<hbm>>)
    %dma_wait3A_152 = arith.constant 1 : i32
    %dma_wait3A_153 = arith.constant 128 : i32
    %dma_wait3A_154 = arith.constant 0 : i32
    %dma_wait3A_155 = arith.constant 0 : i32
    %dma_wait3A_156 = tpu.memref_slice %arg8[%dma_wait3A_153, %dma_wait3A_154, %dma_wait3A_155] : memref<512x1x64xf32, #tpu.memory_space<vmem>> -> memref<128x1x64xf32, #tpu.memory_space<vmem>>
    %dma_wait3A_157 = arith.constant 0 : i32
    %dma_wait3A_158 = tpu.memref_slice %arg7[%dma_wait3A_152, %dma_wait3A_157] : memref<4x128xi32, #tpu.memory_space<vmem>> -> memref<1x128xi32, #tpu.memory_space<vmem>>
    %dma_wait3A_159 = tpu.memref_squeeze %dma_wait3A_158 : memref<1x128xi32, #tpu.memory_space<vmem>> -> memref<128xi32, #tpu.memory_space<vmem>>
    %dma_wait3A_160 = arith.constant 0 : i32
    %dma_wait3A_161 = arith.constant 0 : i32
    %dma_wait3A_162 = arith.constant 0 : i32
    %dma_wait3A_163 = tpu.memref_slice %arg5[%dma_wait3A_160, %dma_wait3A_161, %dma_wait3A_162] : memref<16384x1x64xf32, #tpu.memory_space<hbm>> -> memref<16384x1x64xf32, #tpu.memory_space<hbm>>
    tpu.wait_indirect_dma semaphore(%arg10 : memref<!tpu.dma_semaphore, #tpu.memory_space<semaphore_mem>>) src(%dma_wait3A_156 : memref<128x1x64xf32, #tpu.memory_space<vmem>>) dst(%dma_wait3A_163 : memref<16384x1x64xf32, #tpu.memory_space<hbm>>)
    %dma_wait3A_164 = arith.constant 2 : i32
    %dma_wait3A_165 = arith.constant 256 : i32
    %dma_wait3A_166 = arith.constant 0 : i32
    %dma_wait3A_167 = arith.constant 0 : i32
    %dma_wait3A_168 = tpu.memref_slice %arg8[%dma_wait3A_165, %dma_wait3A_166, %dma_wait3A_167] : memref<512x1x64xf32, #tpu.memory_space<vmem>> -> memref<128x1x64xf32, #tpu.memory_space<vmem>>
    %dma_wait3A_169 = arith.constant 0 : i32
    %dma_wait3A_170 = tpu.memref_slice %arg7[%dma_wait3A_164, %dma_wait3A_169] : memref<4x128xi32, #tpu.memory_space<vmem>> -> memref<1x128xi32, #tpu.memory_space<vmem>>
    %dma_wait3A_171 = tpu.memref_squeeze %dma_wait3A_170 : memref<1x128xi32, #tpu.memory_space<vmem>> -> memref<128xi32, #tpu.memory_space<vmem>>
    %dma_wait3A_172 = arith.constant 0 : i32
    %dma_wait3A_173 = arith.constant 0 : i32
    %dma_wait3A_174 = arith.constant 0 : i32
    %dma_wait3A_175 = tpu.memref_slice %arg5[%dma_wait3A_172, %dma_wait3A_173, %dma_wait3A_174] : memref<16384x1x64xf32, #tpu.memory_space<hbm>> -> memref<16384x1x64xf32, #tpu.memory_space<hbm>>
    tpu.wait_indirect_dma semaphore(%arg10 : memref<!tpu.dma_semaphore, #tpu.memory_space<semaphore_mem>>) src(%dma_wait3A_168 : memref<128x1x64xf32, #tpu.memory_space<vmem>>) dst(%dma_wait3A_175 : memref<16384x1x64xf32, #tpu.memory_space<hbm>>)
    %dma_wait3A_176 = arith.constant 3 : i32
    %dma_wait3A_177 = arith.constant 384 : i32
    %dma_wait3A_178 = arith.constant 0 : i32
    %dma_wait3A_179 = arith.constant 0 : i32
    %dma_wait3A_180 = tpu.memref_slice %arg8[%dma_wait3A_177, %dma_wait3A_178, %dma_wait3A_179] : memref<512x1x64xf32, #tpu.memory_space<vmem>> -> memref<128x1x64xf32, #tpu.memory_space<vmem>>
    %dma_wait3A_181 = arith.constant 0 : i32
    %dma_wait3A_182 = tpu.memref_slice %arg7[%dma_wait3A_176, %dma_wait3A_181] : memref<4x128xi32, #tpu.memory_space<vmem>> -> memref<1x128xi32, #tpu.memory_space<vmem>>
    %dma_wait3A_183 = tpu.memref_squeeze %dma_wait3A_182 : memref<1x128xi32, #tpu.memory_space<vmem>> -> memref<128xi32, #tpu.memory_space<vmem>>
    %dma_wait3A_184 = arith.constant 0 : i32
    %dma_wait3A_185 = arith.constant 0 : i32
    %dma_wait3A_186 = arith.constant 0 : i32
    %dma_wait3A_187 = tpu.memref_slice %arg5[%dma_wait3A_184, %dma_wait3A_185, %dma_wait3A_186] : memref<16384x1x64xf32, #tpu.memory_space<hbm>> -> memref<16384x1x64xf32, #tpu.memory_space<hbm>>
    tpu.wait_indirect_dma semaphore(%arg10 : memref<!tpu.dma_semaphore, #tpu.memory_space<semaphore_mem>>) src(%dma_wait3A_180 : memref<128x1x64xf32, #tpu.memory_space<vmem>>) dst(%dma_wait3A_187 : memref<16384x1x64xf32, #tpu.memory_space<hbm>>)
    return
  }
}

module attributes {stable_mosaic.version = 14 : i64} {
  func.func @_emb_body(%arg0: i32, %arg1: memref<4096x64xf32, #tpu.memory_space<vmem>>, %arg2: memref<4096x64xf32, #tpu.memory_space<vmem>>, %arg3: memref<64x128xf32, #tpu.memory_space<vmem>>, %arg4: memref<4096x128xf32, #tpu.memory_space<vmem>>) attributes {dimension_semantics = [#tpu.dimension_semantics<parallel>], iteration_bounds = array<i64: 4>, scalar_prefetch = 0 : i64, scratch_operands = 0 : i64, tpu.core_type = #tpu.core_type<tc>, window_params = [{transform_indices = @transform_0, window_bounds = array<i64: 4096, 64>}, {transform_indices = @transform_1, window_bounds = array<i64: 4096, 64>}, {pipeline_mode = #tpu.pipeline_mode<synchronous>, transform_indices = @transform_2, window_bounds = array<i64: 64, 128>}, {transform_indices = @transform_3, window_bounds = array<i64: 4096, 128>}]} {
    %get3A = arith.constant 0 : index
    %get3A_0 = arith.constant 0 : index
    %get3A_1 = vector.load %arg1[%get3A, %get3A_0] : memref<4096x64xf32, #tpu.memory_space<vmem>>, vector<4096x64xf32>
    %get3A_2 = arith.constant 0 : index
    %get3A_3 = arith.constant 0 : index
    %get3A_4 = vector.load %arg2[%get3A_2, %get3A_3] : memref<4096x64xf32, #tpu.memory_space<vmem>>, vector<4096x64xf32>
    %mul3A = arith.mulf %get3A_1, %get3A_4 : vector<4096x64xf32>
    %get3A_5 = arith.constant 0 : index
    %get3A_6 = arith.constant 0 : index
    %get3A_7 = vector.load %arg3[%get3A_5, %get3A_6] : memref<64x128xf32, #tpu.memory_space<vmem>>, vector<64x128xf32>
    %dot_general3A = arith.constant dense<0.000000e+00> : vector<4096x128xf32>
    %dot_general3A_8 = tpu.matmul %mul3A, %get3A_7, %dot_general3A {dimension_numbers = #tpu.dot_dimension_numbers<[1], [0], [0], [1], [0, 0, 1, 1], [], []>, transpose_lhs_hint = false} : vector<4096x64xf32>, vector<64x128xf32>, vector<4096x128xf32> -> vector<4096x128xf32>
    %swap3A = arith.constant 0 : index
    %swap3A_9 = arith.constant 0 : index
    %swap3A_10 = vector.load %arg4[%swap3A, %swap3A_9] : memref<4096x128xf32, #tpu.memory_space<vmem>>, vector<4096x128xf32>
    tpu.vector_store %arg4[%swap3A, %swap3A_9], %dot_general3A_8 {strides = array<i32>} : memref<4096x128xf32, #tpu.memory_space<vmem>>, vector<4096x128xf32>,
    return
  }
  func.func @transform_0(%arg0: i32) -> (i32, i32) {
    %c0_i32 = arith.constant 0 : i32
    %c0_i32_0 = arith.constant 0 : i32
    return %arg0, %c0_i32 : i32, i32
  }
  func.func @transform_1(%arg0: i32) -> (i32, i32) {
    %c0_i32 = arith.constant 0 : i32
    %c0_i32_0 = arith.constant 0 : i32
    return %arg0, %c0_i32 : i32, i32
  }
  func.func @transform_2(%arg0: i32) -> (i32, i32) {
    %c0_i32 = arith.constant 0 : i32
    %c0_i32_0 = arith.constant 0 : i32
    %c0_i32_1 = arith.constant 0 : i32
    return %c0_i32, %c0_i32_0 : i32, i32
  }
  func.func @transform_3(%arg0: i32) -> (i32, i32) {
    %c0_i32 = arith.constant 0 : i32
    %c0_i32_0 = arith.constant 0 : i32
    return %arg0, %c0_i32 : i32, i32
  }
}

module attributes {stable_mosaic.version = 14 : i64} {
  func.func @_af_body(%arg0: i32, %arg1: memref<100x4096xf32, #tpu.memory_space<vmem>>, %arg2: memref<64x100xf32, #tpu.memory_space<vmem>>, %arg3: memref<4096x64xf32, #tpu.memory_space<vmem>>) attributes {dimension_semantics = [#tpu.dimension_semantics<parallel>], iteration_bounds = array<i64: 4>, scalar_prefetch = 0 : i64, scratch_operands = 0 : i64, tpu.core_type = #tpu.core_type<tc>, window_params = [{transform_indices = @transform_0, window_bounds = array<i64: 100, 4096>}, {pipeline_mode = #tpu.pipeline_mode<synchronous>, transform_indices = @transform_1, window_bounds = array<i64: 64, 100>}, {transform_indices = @transform_2, window_bounds = array<i64: 4096, 64>}]} {
    %get3A = arith.constant 0 : index
    %get3A_0 = arith.constant 0 : index
    %get3A_1 = vector.load %arg1[%get3A, %get3A_0] : memref<100x4096xf32, #tpu.memory_space<vmem>>, vector<100x4096xf32>
    %get3A_2 = arith.constant 0 : index
    %get3A_3 = arith.constant 0 : index
    %get3A_4 = vector.load %arg2[%get3A_2, %get3A_3] : memref<64x100xf32, #tpu.memory_space<vmem>>, vector<64x100xf32>
    %dot_general3A = arith.constant dense<0.000000e+00> : vector<4096x64xf32>
    %dot_general3A_5 = tpu.matmul %get3A_1, %get3A_4, %dot_general3A {dimension_numbers = #tpu.dot_dimension_numbers<[0], [1], [1], [0], [0, 1, 1, 0], [], []>, transpose_lhs_hint = false} : vector<100x4096xf32>, vector<64x100xf32>, vector<4096x64xf32> -> vector<4096x64xf32>
    %swap3A = arith.constant 0 : index
    %swap3A_6 = arith.constant 0 : index
    %swap3A_7 = vector.load %arg3[%swap3A, %swap3A_6] : memref<4096x64xf32, #tpu.memory_space<vmem>>, vector<4096x64xf32>
    tpu.vector_store %arg3[%swap3A, %swap3A_6], %dot_general3A_5 {strides = array<i32>} : memref<4096x64xf32, #tpu.memory_space<vmem>>, vector<4096x64xf32>,
    return
  }
  func.func @transform_0(%arg0: i32) -> (i32, i32) {
    %c0_i32 = arith.constant 0 : i32
    %c0_i32_0 = arith.constant 0 : i32
    return %c0_i32, %arg0 : i32, i32
  }
  func.func @transform_1(%arg0: i32) -> (i32, i32) {
    %c0_i32 = arith.constant 0 : i32
    %c0_i32_0 = arith.constant 0 : i32
    %c0_i32_1 = arith.constant 0 : i32
    return %c0_i32, %c0_i32_0 : i32, i32
  }
  func.func @transform_2(%arg0: i32) -> (i32, i32) {
    %c0_i32 = arith.constant 0 : i32
    %c0_i32_0 = arith.constant 0 : i32
    return %arg0, %c0_i32 : i32, i32
  }
}

</mosaic_0001>

<sc_bundles>
// kernel: kernel.5.cloned.1.call-start
scs
__scs_entry_jumppad:
0x0: {  	(pc) =	sbr.rel $0x88, $3  }
0x1: {  	(tag) =	ssettag $0x0;
	lr =	simm.s32 $0x1  }
0x2: {  	[smem:$0x3F9C] =	sst lr;
	_ =	strace $0xD0000000  }
0x3: {  	_ = 	snop  }
0x4: {  	_ = 	snop  }
0x5: {  	_ = 	snop  }
0x6: {  	_ = 	snop  }
0x7: {  	_ = 	snop  }
__scs_overlays_trampoline_lowered:
0x8: {  	[smem:$0x3FAB] =	sst s0  }
0x9: {  	[smem:$0x3FAC] =	sst s1  }
0xa: {  	[smem:$0x3FAD] =	sst s2  }
0xb: {  	[smem:$0x3FAE] =	sst s3  }
0xc: {  	[smem:$0x3FAF] =	sst s4  }
0xd: {  	[smem:$0x3FB0] =	sst s5  }
0xe: {  	[smem:$0x3FB1] =	sst s6  }
0xf: {  	[smem:$0x3FB2] =	sst s7  }
0x10: {  	[smem:$0x3FB3] =	sst s8  }
0x11: {  	[smem:$0x3FB4] =	sst s9;
	s0 =	simm.s32 @!p0 $0x0  }
0x12: {  	s1 =	sld [smem:$0x3F9A];
	s0 =	simm.s32 @p0 $0x1  }
0x13: {  	[smem:$0x3FB5] =	sst s0;
	s0 =	simm.s32 @!p1 $0x0  }
0x14: {  	s2 =	sld [smem:$0x3F99];
	s0 =	simm.s32 @p1 $0x1  }
0x15: {  	[smem:$0x3FB6] =	sst s0;
	s0 =	simm.s32 @!p2 $0x0  }
0x16: {  	s3 =	sld [smem:$0x3FDB];
	s0 =	simm.s32 @p2 $0x1  }
0x17: {  	s4 =	simm.s32 $0x1BF5;
	[smem:$0x3FB8] =	sst s0  }
0x18: {  	s0 =	sld [smem:$0x3F9B];
	_ =	swait.ge [sflag:s4], $0x0  }
0x19: {  	s7 =	sld [smem:$0x3F9C]  }
0x1a: {  	s8 =	sadd.s32 $0xFFFFE003, lr  }
0x1b: {  	s9 =	sadd.s32 $0xFFFFFEF7, lr;
	s5 =	simm.s32 $0xFFFFFFFF;
	p2 =	slt.u32 s8, $0xFFFFF086  }
0x1c: {  	p1 =	slt.u32 s9, $0xF7A;
	s5 =	simm.s32 @!p2 $0x0  }
0x1d: {  	s5 =	simm.s32 @p1 $0x1;
	p0 =	seq.s32 s7, s2  }
0x1e: {  	s7 =	smul.u32 @!p0 $0xF7A, s2;
	p2 =	seq.s32 @!p0 s5, $0x0  }
0x1f: {  	s9 =	smul.u32 $0xF7A, s1;
	s8 =	simm.s32 @!p0 $0x1BF5;
	p2 =	por !p2, p0  }
0x20: {  	[sflag:s8] =	ssyncset.s32 @!p0 $0xFFFFF086;
	s6 =	sadd.s32 @!p0 s3, s7;
	s7 =	simm.s32 @!p0 $0x108  }
0x21: {  	s3 =	sadd.s32 s3, s9;
	s6 =	sadd.s32 @!p0 $0x88, s6;
	s7 =	simm.s32 @p2 $0x1082  }
0x22: {  	[simem:s7], [sflag:s8] =	dma.local @!p0 [hbm:s6], $0xF7A  }
0x23: {  	s9 =	sor.u32 $0xD0000000, s2;
	s6 =	simm.s32 $0x108;
	_ =	swait.ge @!p0 [sflag:s8], $0x0  }
0x24: {  	s3 =	sadd.s32 $0x88, s3;
	s6 =	simm.s32 @!p1 $0x1082;
	[sflag:s4] =	ssyncset.s32 $0xFFFFF086  }
0x25: {  	[simem:s6], [sflag:s4] =	dma.local [hbm:s3], $0xF7A  }
0x26: {  	[smem:$0x3F9C] =	sst s1;
	(tag) =	ssettag s2;
	_ =	strace s9  }
0x27: {  	s1 =	sld [smem:$0x3FAC]  }
0x28: {  	s2 =	sld [smem:$0x3FAD]  }
0x29: {  	s4 =	sld [smem:$0x3FAF]  }
0x2a: {  	p0 =	seq.s32 s5, $0x0;
	s5 =	sld [smem:$0x3FB0]  }
0x2b: {  	s6 =	sld [smem:$0x3FB1]  }
0x2c: {  	s7 =	sld [smem:$0x3FB2]  }
0x2d: {  	s3 =	simm.s32 $0x108;
	s8 =	sld [smem:$0x3FB3]  }
0x2e: {  	s3 =	simm.s32 @!p0 $0x1082;
	s9 =	sld [smem:$0x3FB4]  }
0x2f: {  	lr =	sadd.s32 s0, s3;
	s0 =	sld [smem:$0x3FAB]  }
0x30: {  	s3 =	sld [smem:$0x3FAE]  }
0x31: {  	[smem:$0x3FB7] =	sst s10  }
0x32: {  	s10 =	sld [smem:$0x3FB5];
	_ =	sdelay $0x3  }
0x33: {  	p0 =	seq.s32 s10, $0x1;
	s10 =	sld [smem:$0x3FB7];
	_ =	sdelay $0x3  }
0x34: {  	[smem:$0x3FB7] =	sst s10  }
0x35: {  	s10 =	sld [smem:$0x3FB6];
	_ =	sdelay $0x3  }
0x36: {  	p1 =	seq.s32 s10, $0x1;
	s10 =	sld [smem:$0x3FB7];
	_ =	sdelay $0x3  }
0x37: {  	[smem:$0x3FB7] =	sst s10  }
0x38: {  	s10 =	sld [smem:$0x3FB8]  }
0x39: {  	_ = 	snop;
	(pc) =	sbr.ind lr, $3  }
0x3a: {  	_ = 	snop  }
0x3b: {  	_ = 	snop  }
0x3c: {  	p2 =	seq.s32 s10, $0x1;
	s10 =	sld [smem:$0x3FB7]  }
0x3d: {  	_ =	shalt  }
0x3e: {  	_ =	shalt  }
0x3f: {  	_ =	shalt  }
0x40: {  	_ =	shalt  }
0x41: {  	_ =	shalt  }
0x42: {  	_ =	shalt  }
0x43: {  	_ =	shalt  }
0x44: {  	_ =	shalt  }
0x45: {  	_ =	shalt  }
0x46: {  	_ =	shalt  }
0x47: {  	_ =	shalt  }
0x48: {  	_ =	shalt  }
0x49: {  	_ =	shalt  }
0x4a: {  	_ =	shalt  }
0x4b: {  	_ =	shalt  }
0x4c: {  	_ =	shalt  }
0x4d: {  	_ =	shalt  }
0x4e: {  	_ =	shalt  }
0x4f: {  	_ =	shalt  }
0x50: {  	_ =	shalt  }
0x51: {  	_ =	shalt  }
0x52: {  	_ =	shalt  }
0x53: {  	_ =	shalt  }
0x54: {  	_ =	shalt  }
0x55: {  	_ =	shalt  }
0x56: {  	_ =	shalt  }
0x57: {  	_ =	shalt  }
0x58: {  	_ =	shalt  }
0x59: {  	_ =	shalt  }
0x5a: {  	_ =	shalt  }
0x5b: {  	_ =	shalt  }
0x5c: {  	_ =	shalt  }
0x5d: {  	_ =	shalt  }
0x5e: {  	_ =	shalt  }
0x5f: {  	_ =	shalt  }
0x60: {  	_ =	shalt  }
0x61: {  	_ =	shalt  }
0x62: {  	_ =	shalt  }
0x63: {  	_ =	shalt  }
0x64: {  	_ =	shalt  }
0x65: {  	_ =	shalt  }
0x66: {  	_ =	shalt  }
0x67: {  	_ =	shalt  }
0x68: {  	_ =	shalt  }
0x69: {  	_ =	shalt  }
0x6a: {  	_ =	shalt  }
0x6b: {  	_ =	shalt  }
0x6c: {  	_ =	shalt  }
0x6d: {  	_ =	shalt  }
0x6e: {  	_ =	shalt  }
0x6f: {  	_ =	shalt  }
0x70: {  	_ =	shalt  }
0x71: {  	_ =	shalt  }
0x72: {  	_ =	shalt  }
0x73: {  	_ =	shalt  }
0x74: {  	_ =	shalt  }
0x75: {  	_ =	shalt  }
0x76: {  	_ =	shalt  }
0x77: {  	_ =	shalt  }
0x78: {  	_ =	shalt  }
0x79: {  	_ =	shalt  }
0x7a: {  	_ =	shalt  }
0x7b: {  	_ =	shalt  }
0x7c: {  	_ =	shalt  }
0x7d: {  	_ =	shalt  }
0x7e: {  	_ =	shalt  }
0x7f: {  	_ =	shalt  }
0x80: {  	_ =	shalt  }
0x81: {  	_ =	shalt  }
0x82: {  	_ =	shalt  }
0x83: {  	_ =	shalt  }
0x84: {  	_ =	shalt  }
0x85: {  	_ =	shalt  }
0x86: {  	_ =	shalt  }
0x87: {  	_ =	shalt  }
.Lfunc_end0:
.L_simem_size_0:
called_computation_lowered:
.L_overlay_start_0:
0x88: {  	s2 =	sld [smem:$0x3FD9]  }
0x89: {  	s3 =	sld [smem:$0x3FFE];
	_ =	sdelay $0x1  }
0x8a: {  	s1 =	srdreg.scid  }
0x8b: {  	s0 =	sand.u32 $0x1, s1  }
0x8c: {  	s17 =	sshll.u32 s0, $0xA;
	s2 =	sadd.s32 s3, s2  }
0x8d: {  	s2 =	sadd.s32 s2, s17  }
0x8e: {  	[smem:$0x3FC3] =	sst s2  }
0x8f: {  	_ = 	snop  }
0x90: {  	s2 =	sld [smem:$0x3FD0];
	(tm) =	ssettm $0x1  }
0x91: {  	s18 =	sld [smem:$0x3FFB];
	_ =	sdelay $0x3  }
0x92: {  	_ =	strace s18  }
0x93: {  	s3 =	sld [smem:$0x3FFC];
	_ =	sdelay $0x3  }
0x94: {  	_ =	strace s3  }
0x95: {  	s3 =	sld [smem:$0x3FFD];
	_ =	sdelay $0x3  }
0x96: {  	_ =	strace s3  }
0x97: {  	_ =	strace $0x8FFFFFFF  }
0x98: {  	s19 =	sld [smem:$0x3FDB];
	_ =	sdelay $0x1  }
0x99: {  	s4 =	simm.s32 $_scs_section_size  }
0x9a: {  	s5 =	simm.s32 $_size__tile_overlayer_lowered;
	s6 =	simm.s32 $_tile_overlayer_lowered  }
0x9b: {  	s22 =	simm.s32 $0x1BFF;
	s21 =	sshll.u32 s6, $0x1;
	s3 =	sadd.s32 s4, s19  }
0x9c: {  	s7 =	simm.s32 $0x0;
	s20 =	sshll.u32 s5, $0x1;
	s5 =	sadd.s32 s21, s3  }
0x9d: {  	[timem:s7], [sflag:s22] =	dma.local [hbm:s5], s20  }
0x9e: {  	_ =	swait.ge [sflag:s22], s20  }
0x9f: {  	s4 =	ssub.s32 $0x0, s20;
	[sflag:s22] =	ssyncset.done $0x0  }
0xa0: {  	[sflag:s22] =	ssyncadd.s32 s4;
	_ =	sdelay $0x1  }
0xa1: {  	s23 =	simm.s32 $0x1B8B  }
0xa2: {  	_ =	swait.ge [sflag:s23], $0x1  }
0xa3: {  	[sflag:s23] =	ssyncset.done $0x0  }
0xa4: {  	s25 =	simm.s32 $0x1B8E;
	s24 =	sld [smem:$0x3FFE];
	[sflag:s23] =	ssyncadd.s32 $0xFFFFFFFF  }
0xa5: {  	s26 =	simm.s32 $execute0_lowered;
	[smem:$0x3FD2] =	sst s25  }
0xa6: {  	s5 =	sshll.u32 s26, $0x1;
	_ =	strace $0x80000046;
	[dreg:$0x1] =	wrdreg $0xFFFFFFFF  }
0xa7: {  	s28 =	simm.s32 $_size_execute0_lowered;
	s3 =	sadd.s32 s3, s5;
	[dreg:$0x0] =	wrdreg $0x0  }
0xa8: {  	s5 =	sshll.u32 s28, $0x1;
	[dreg:$0x2] =	wrdreg s3  }
0xa9: {  	[dreg:$0x3] =	wrdreg s5  }
0xaa: {  	[dreg:$0x4] =	wrdreg $0xC0  }
0xab: {  	_ =	task [dreg:s7], $0x5FFFF  }
0xac: {  	[dreg:$0x1] =	wrdreg $0xFFFFFFFF  }
0xad: {  	[dreg:$0x0] =	wrdreg $0x60  }
0xae: {  	[dreg:$0x2] =	wrdreg s24  }
0xaf: {  	[dreg:$0x3] =	wrdreg s2  }
0xb0: {  	[dreg:$0x4] =	wrdreg $0x9  }
0xb1: {  	_ =	task.clear_ibuf [dreg:s7], $0x5FFFF;
	_ =	strace $0x90000046  }
0xb2: {  	s29 =	simm.s32 $0x9;
	_ =	strace $0x80000048  }
0xb3: {  	_ =	swait.ge [sflag:s29], $0x1  }
0xb4: {  	[sflag:s29] =	ssyncadd.s32 $0xFFFFFFFF  }
0xb5: {  	_ =	strace $0x90000048  }
0xb6: {  	_ =	sfence  }
0xb7: {  	s30 =	sld [smem:$0x0];
	_ =	sdelay $0x2  }
0xb8: {  	s31 =	sshll.u32 s1, $0xD;
	s1 =	sshrl.u32 s1, $0x2  }
0xb9: {  	s3 =	sand.u32 $0x4000, s31;
	s1 =	sadd.s32 s1, s30  }
0xba: {  	s0 =	sor.u32 s3, s0;
	s1 =	sshll.u32 s1, $0x11  }
0xbb: {  	s0 =	sor.u32 s1, s0  }
0xbc: {  	s0 =	sadd.s32 $0x8F2B, s0  }
0xbd: {  	[sflag:s0] =	ssyncadd.remote.s32 $0x1  }
0xbe: {  	_ =	sfence.sel $0xFFFF  }
0xbf: {  	[dreg:$0x0] =	wrdreg $0xFFFFFFFF;
	(pc) =	sbr.abs _section_cstart, $3  }
0xc0: {  	[dreg:$0x1] =	wrdreg $0xFFFFFFFF  }
0xc1: {  	_ =	task.clear_ibuf [dreg:s7], $0x2FFFF;
	_ =	strace $0x9FFFFFFF  }
0xc2: {  	(tm) =	ssettm $0x7FFFFFFF  }
0xc3: {  	_ =	shalt  }
tec
execute0_lowered:
.L_overlay_start_1:
0x0: {  	(tag) =	ssettag $0x1  }
0x1: {  	s1 =	srdreg.scid  }
0x2: {  	s14 =	rddreg [dreg:$0x0];
	s0 =	stileid.u32;
	s24 =	sand.u32 $0x1, s1  }
0x3: {  	s2 =	rddreg [dreg:$0x1];
	s4 =	sshll.u32 s0, $0x7;
	s5 =	sshll.u32 s24, $0x6  }
0x4: {  	s3 =	simm.s32 $0x0;
	s1 =	rddreg [dreg:$0x2];
	s4 =	sor.u32 s5, s4  }
0x5: {  	[smem:$0x7FF] =	sst s3;
	s12 =	sadd.s32 s4, s14  }
0x6: {  	_ =	strace $0x80000047;
	s5 =	simm.s32 $0x3;
	s4 =	sadd.s32 $0x1C00, s12  }
0x7: {  	[tilespmem:s3], [sflag:$0x3] =	stream.linear.gather [hbm4b:s4+s3], $0x200, $0x38;
	[tilespmem:$0x10400] =	vst v63  }
0x8: {  	_ =	swait.ge [sflag:s5], $0x200  }
0x9: {  	[sflag:s5] =	ssyncset.done $0x0  }
0xa: {  	s7 =	simm.s32 $0x200;
	s6 =	sadd.s32 $0x1400, s12;
	[sflag:s5] =	ssyncadd.s32 $0xFFFFFE00  }
0xb: {  	[tilespmem:s7], [sflag:$0x3] =	stream.linear.gather [hbm4b:s6+s3], $0x80, $0x38;
	[tilespmem:$0x10400] =	vst v63  }
0xc: {  	_ =	swait.ge [sflag:s5], $0x80  }
0xd: {  	[sflag:s5] =	ssyncset.done $0x0  }
0xe: {  	s9 =	simm.s32 $0x280;
	s8 =	sadd.s32 $0x1410, s12;
	[sflag:s5] =	ssyncadd.s32 $0xFFFFFF80  }
0xf: {  	[tilespmem:s9], [sflag:$0x3] =	stream.linear.gather [hbm4b:s8+s3], $0x80, $0x38;
	[tilespmem:$0x10400] =	vst v63  }
0x10: {  	_ =	swait.ge [sflag:s5], $0x80  }
0x11: {  	[sflag:s5] =	ssyncset.done $0x0  }
0x12: {  	s11 =	simm.s32 $0x300;
	s10 =	sadd.s32 $0x1420, s12;
	[sflag:s5] =	ssyncadd.s32 $0xFFFFFF80  }
0x13: {  	[tilespmem:s11], [sflag:$0x3] =	stream.linear.gather [hbm4b:s10+s3], $0x80, $0x38;
	[tilespmem:$0x10400] =	vst v63  }
0x14: {  	_ =	swait.ge [sflag:s5], $0x80  }
0x15: {  	[sflag:s5] =	ssyncset.done $0x0  }
0x16: {  	s13 =	simm.s32 $0x380;
	s12 =	sadd.s32 $0x1430, s12;
	[sflag:s5] =	ssyncadd.s32 $0xFFFFFF80  }
0x17: {  	[tilespmem:s13], [sflag:$0x3] =	stream.linear.gather [hbm4b:s12+s3], $0x80, $0x38;
	[tilespmem:$0x10400] =	vst v63  }
0x18: {  	_ =	swait.ge [sflag:s5], $0x80  }
0x19: {  	s15 =	simm.s32 $0x80;
	[sflag:s5] =	ssyncset.done $0x0  }
0x1a: {  	s16 =	simm.s32 $0x400;
	s14 =	sadd.s32 $0x2400, s14;
	[sflag:s5] =	ssyncadd.s32 $0xFFFFFF80  }
0x1b: {  	[tilespmem:s16], [sflag:$0x1] =	stream.indirect.gather [hbm4b:s14+s15], $0x40, s3, s15, $0xb8;
	[tilespmem:$0x10400] =	vst v63  }
0x1c: {  	s17 =	simm.s32 $0x4400  }
0x1d: {  	[tilespmem:s17], [sflag:$0x1] =	stream.indirect.gather [hbm4b:s14+s15], $0x40, s15, s15, $0xb8;
	[tilespmem:$0x10400] =	vst v63  }
0x1e: {  	s18 =	simm.s32 $0x100;
	s19 =	simm.s32 $0x8400  }
0x1f: {  	[tilespmem:s19], [sflag:$0x1] =	stream.indirect.gather [hbm4b:s14+s15], $0x40, s18, s15, $0xb8;
	[tilespmem:$0x10400] =	vst v63  }
0x20: {  	s20 =	simm.s32 $0x180;
	s21 =	simm.s32 $0xC400;
	s22 =	simm.s32 $0x1  }
0x21: {  	[tilespmem:s21], [sflag:$0x1] =	stream.indirect.gather [hbm4b:s14+s15], $0x40, s20, s15, $0xb8;
	[tilespmem:$0x10400] =	vst v63  }
0x22: {  	_ =	swait.ge [sflag:s22], $0x2000  }
0x23: {  	[sflag:s22] =	ssyncset.done $0x0  }
0x24: {  	[sflag:s22] =	ssyncadd.s32 $0xFFFFE000  }
0x25: {  	_ =	swait.ge [sflag:s22], $0x2000  }
0x26: {  	[sflag:s22] =	ssyncset.done $0x0  }
0x27: {  	[sflag:s22] =	ssyncadd.s32 $0xFFFFE000  }
0x28: {  	_ =	swait.ge [sflag:s22], $0x2000  }
0x29: {  	[sflag:s22] =	ssyncset.done $0x0  }
0x2a: {  	[sflag:s22] =	ssyncadd.s32 $0xFFFFE000  }
0x2b: {  	_ =	swait.ge [sflag:s22], $0x2000  }
0x2c: {  	[sflag:s22] =	ssyncset.done $0x0  }
0x2d: {  	[sflag:s22] =	ssyncadd.s32 $0xFFFFE000  }
0x2e: {  	[hbm4b:s2+s15] =	stream.indirect.scatter [tilespmem:s16], [sflag:$0x2], $0x40, s7, s15, $0xb8;
	[tilespmem:$0x10400] =	vst v63  }
0x2f: {  	_ = 	snop  }
0x30: {  	[hbm4b:s2+s15] =	stream.indirect.scatter [tilespmem:s17], [sflag:$0x2], $0x40, s9, s15, $0xb8;
	[tilespmem:$0x10400] =	vst v63  }
0x31: {  	_ = 	snop  }
0x32: {  	[hbm4b:s2+s15] =	stream.indirect.scatter [tilespmem:s19], [sflag:$0x2], $0x40, s11, s15, $0xb8;
	[tilespmem:$0x10400] =	vst v63  }
0x33: {  	s23 =	simm.s32 $0x2  }
0x34: {  	[hbm4b:s2+s15] =	stream.indirect.scatter [tilespmem:s21], [sflag:$0x2], $0x40, s13, s15, $0xb8;
	[tilespmem:$0x10400] =	vst v63  }
0x35: {  	_ =	swait.ge [sflag:s23], $0x2000  }
0x36: {  	s24 =	ssub.s32 $0x2, s24;
	[sflag:s23] =	ssyncset.done $0x0  }
0x37: {  	s25 =	sshrl.u32 s24, $0x1;
	[sflag:s23] =	ssyncadd.s32 $0xFFFFE000  }
0x38: {  	s24 =	ssub.s32 s24, s25;
	_ =	swait.ge [sflag:s23], $0x2000  }
0x39: {  	s24 =	smax.u32 s24, $0x1;
	[sflag:s23] =	ssyncset.done $0x0  }
0x3a: {  	p0 =	sne.s32 s24, $0x1;
	[sflag:s23] =	ssyncadd.s32 $0xFFFFE000  }
.Ltmp0:
0x3b: {  	_ =	swait.ge [sflag:s23], $0x2000;
	(pc) =	sbr.rel @!p0 .LBB2_2-.Ltmp0, $4  }
0x3c: {  	[sflag:s23] =	ssyncset.done $0x0  }
0x3d: {  	[sflag:s23] =	ssyncadd.s32 $0xFFFFE000  }
0x3e: {  	_ =	swait.ge [sflag:s23], $0x2000  }
0x3f: {  	s24 =	sadd.s32 $0xFFFFFFFF, s24;
	[sflag:s23] =	ssyncset.done $0x0  }
.LBB2_1:
0x40: {  	p0 =	sne.s32 s24, $0x1;
	s24 =	sadd.s32 $0xFFFFFFFF, s24;
	[sflag:s23] =	ssyncadd.s32 $0xFFFFE000  }
0x41: {  	[tilespmem:s3], [sflag:$0x3] =	stream.linear.gather [hbm4b:s4+s3], $0x200, $0x38;
	[tilespmem:$0x10400] =	vst v63  }
0x42: {  	_ =	swait.ge [sflag:s5], $0x200  }
0x43: {  	[sflag:s5] =	ssyncset.done $0x0  }
0x44: {  	[sflag:s5] =	ssyncadd.s32 $0xFFFFFE00  }
0x45: {  	[tilespmem:s7], [sflag:$0x3] =	stream.linear.gather [hbm4b:s6+s3], $0x80, $0x38;
	[tilespmem:$0x10400] =	vst v63  }
0x46: {  	_ =	swait.ge [sflag:s5], $0x80  }
0x47: {  	[sflag:s5] =	ssyncset.done $0x0  }
0x48: {  	[sflag:s5] =	ssyncadd.s32 $0xFFFFFF80  }
0x49: {  	[tilespmem:s9], [sflag:$0x3] =	stream.linear.gather [hbm4b:s8+s3], $0x80, $0x38;
	[tilespmem:$0x10400] =	vst v63  }
0x4a: {  	_ =	swait.ge [sflag:s5], $0x80  }
0x4b: {  	[sflag:s5] =	ssyncset.done $0x0  }
0x4c: {  	[sflag:s5] =	ssyncadd.s32 $0xFFFFFF80  }
0x4d: {  	[tilespmem:s11], [sflag:$0x3] =	stream.linear.gather [hbm4b:s10+s3], $0x80, $0x38;
	[tilespmem:$0x10400] =	vst v63  }
0x4e: {  	_ =	swait.ge [sflag:s5], $0x80  }
0x4f: {  	[sflag:s5] =	ssyncset.done $0x0  }
0x50: {  	[sflag:s5] =	ssyncadd.s32 $0xFFFFFF80  }
0x51: {  	[tilespmem:s13], [sflag:$0x3] =	stream.linear.gather [hbm4b:s12+s3], $0x80, $0x38;
	[tilespmem:$0x10400] =	vst v63  }
0x52: {  	_ =	swait.ge [sflag:s5], $0x80  }
0x53: {  	[sflag:s5] =	ssyncset.done $0x0  }
0x54: {  	[sflag:s5] =	ssyncadd.s32 $0xFFFFFF80  }
0x55: {  	[tilespmem:s16], [sflag:$0x1] =	stream.indirect.gather [hbm4b:s14+s15], $0x40, s3, s15, $0xb8;
	[tilespmem:$0x10400] =	vst v63  }
0x56: {  	_ = 	snop  }
0x57: {  	[tilespmem:s17], [sflag:$0x1] =	stream.indirect.gather [hbm4b:s14+s15], $0x40, s15, s15, $0xb8;
	[tilespmem:$0x10400] =	vst v63  }
0x58: {  	_ = 	snop  }
0x59: {  	[tilespmem:s19], [sflag:$0x1] =	stream.indirect.gather [hbm4b:s14+s15], $0x40, s18, s15, $0xb8;
	[tilespmem:$0x10400] =	vst v63  }
0x5a: {  	_ = 	snop  }
0x5b: {  	[tilespmem:s21], [sflag:$0x1] =	stream.indirect.gather [hbm4b:s14+s15], $0x40, s20, s15, $0xb8;
	[tilespmem:$0x10400] =	vst v63  }
0x5c: {  	_ =	swait.ge [sflag:s22], $0x2000  }
0x5d: {  	[sflag:s22] =	ssyncset.done $0x0  }
0x5e: {  	[sflag:s22] =	ssyncadd.s32 $0xFFFFE000  }
0x5f: {  	_ =	swait.ge [sflag:s22], $0x2000  }
0x60: {  	[sflag:s22] =	ssyncset.done $0x0  }
0x61: {  	[sflag:s22] =	ssyncadd.s32 $0xFFFFE000  }
0x62: {  	_ =	swait.ge [sflag:s22], $0x2000  }
0x63: {  	[sflag:s22] =	ssyncset.done $0x0  }
0x64: {  	[sflag:s22] =	ssyncadd.s32 $0xFFFFE000  }
0x65: {  	_ =	swait.ge [sflag:s22], $0x2000  }
0x66: {  	[sflag:s22] =	ssyncset.done $0x0  }
0x67: {  	[sflag:s22] =	ssyncadd.s32 $0xFFFFE000  }
0x68: {  	[hbm4b:s2+s15] =	stream.indirect.scatter [tilespmem:s16], [sflag:$0x2], $0x40, s7, s15, $0xb8;
	[tilespmem:$0x10400] =	vst v63  }
0x69: {  	_ = 	snop  }
0x6a: {  	[hbm4b:s2+s15] =	stream.indirect.scatter [tilespmem:s17], [sflag:$0x2], $0x40, s9, s15, $0xb8;
	[tilespmem:$0x10400] =	vst v63  }
0x6b: {  	_ = 	snop  }
0x6c: {  	[hbm4b:s2+s15] =	stream.indirect.scatter [tilespmem:s19], [sflag:$0x2], $0x40, s11, s15, $0xb8;
	[tilespmem:$0x10400] =	vst v63  }
0x6d: {  	_ = 	snop  }
0x6e: {  	[hbm4b:s2+s15] =	stream.indirect.scatter [tilespmem:s21], [sflag:$0x2], $0x40, s13, s15, $0xb8;
	[tilespmem:$0x10400] =	vst v63  }
0x6f: {  	_ =	swait.ge [sflag:s23], $0x2000  }
0x70: {  	[sflag:s23] =	ssyncset.done $0x0  }
0x71: {  	[sflag:s23] =	ssyncadd.s32 $0xFFFFE000  }
0x72: {  	_ =	swait.ge [sflag:s23], $0x2000  }
0x73: {  	[sflag:s23] =	ssyncset.done $0x0  }
0x74: {  	[sflag:s23] =	ssyncadd.s32 $0xFFFFE000  }
.Ltmp1:
0x75: {  	_ =	swait.ge [sflag:s23], $0x2000;
	(pc) =	sbr.rel @p0 .LBB2_1-.Ltmp1, $4  }
0x76: {  	[sflag:s23] =	ssyncset.done $0x0  }
0x77: {  	[sflag:s23] =	ssyncadd.s32 $0xFFFFE000  }
0x78: {  	_ =	swait.ge [sflag:s23], $0x2000  }
0x79: {  	[sflag:s23] =	ssyncset.done $0x0  }
.LBB2_2:
0x7a: {  	[sflag:s23] =	ssyncadd.s32 $0xFFFFE000  }
0x7b: {  	_ =	sfence.sel $0x180000  }
0x7c: {  	[bflag:$0x0] =	sbarrier.arrive $0xFFFF  }
0x7d: {  	p0 =	sne.s32 s0, $0x0;
	_ =	strace $0x90000047  }
0x7e: {  	s0 =	sadd.s32 @!p0 $0x100000, s1;
	[bflag:$0x2] =	sbarrier.arrive $0xFFFF  }
0x7f: {  	[sflag:s0] =	ssyncadd.tile.s32 @!p0 $0x1;
	_ =	shalt  }
.Lfunc_end2:
_tile_overlayer_lowered:
.L_overlay_start_2:
0x80: {  	(tag) =	ssettag $0x2  }
0x81: {  	s0 =	rddreg [dreg:$0x0];
	s2 =	stileid.u32  }
0x82: {  	s1 =	rddreg [dreg:$0x1];
	p0 =	sne.s32 s2, $0x0  }
0x83: {  	s3 =	rddreg [dreg:$0x2];
	[bflag:$0x3] =	sbarrier.arrive $0xFFFF;
	s2 =	simm.s32 @!p0 $0x1C03  }
0x84: {  	[timem:s3], [sflag:s2] =	dma.local @!p0 [hbm:s0], s1  }
0x85: {  	s0 =	simm.s32 @!p0 $0x3  }
0x86: {  	_ =	swait.ge @!p0 [sflag:s0], s1  }
0x87: {  	s1 =	ssub.s32 @!p0 $0x0, s1;
	[sflag:s0] =	ssyncset.done @!p0 $0x0  }
0x88: {  	[sflag:s0] =	ssyncadd.s32 @!p0 s1  }
0x89: {  	[bflag:$0x3] =	sbarrier.arrive $0xFFFF  }
0x8a: {  	_ =	shalt  }

</sc_bundles>
